<compile_context>
chip_gen: v7x
topology: tpu7x:2x2x1
jax: 0.10.2.dev20260603
libtpu: 0.0.44.dev20260713+nightly
codegen_flags: <defaults>
</compile_context>

<pallas_src>
import functools

import jax
import jax.numpy as jnp
from jax import lax
from jax.experimental import pallas as pl
from jax.experimental.pallas import tpu as pltpu
from jax.experimental.pallas import tpu_sc as plsc

_NC = 1
_NS = 16
_NW = _NC * _NS
_L = 16
_U = 4


def _sc_body(n1, preds_hbm, gt_hbm, out_hbm, pv, gv, stage, sem1, sem2):
    wid = lax.axis_index("s") * _NC + lax.axis_index("c")
    c1 = n1 // _NW
    cp1 = pltpu.async_copy(preds_hbm.at[pl.ds(wid * c1, c1)], pv, sem1)
    cp2 = pltpu.async_copy(gt_hbm.at[pl.ds(wid * c1, c1)], gv, sem2)
    cp1.wait()
    cp2.wait()

    def l1_step(i, acc):
        for k in range(_U):
            acc = acc + jnp.abs(pv[pl.ds((i * _U + k) * _L, _L)]
                                - gv[pl.ds((i * _U + k) * _L, _L)])
        return acc

    acc1 = lax.fori_loop(0, c1 // (_L * _U), l1_step,
                         jnp.zeros((_L,), jnp.float32))
    stage[...] = acc1
    pltpu.sync_copy(stage, out_hbm.at[wid])


def _tc_body(logits_ref, cls_ref):
    x = logits_ref[...]
    sp = jnp.maximum(-x, 0.0) + jnp.log1p(jnp.exp(-jnp.abs(x)))
    cls_ref[...] = jnp.sum(sp).reshape(1, 1)


def kernel(pts_preds, pts_logits, gt_pts):
    B, P, _ = pts_preds.shape
    n1 = B * P * 2
    n2 = B * P
    preds = (jnp.transpose(pts_preds, (1, 2, 0))
             .reshape(P, 2, B // 128, 128)
             .transpose(0, 2, 1, 3)
             .reshape(n1))
    gt = (jnp.transpose(gt_pts, (1, 2, 3, 0))
          .reshape(P, 2, B // 128, 128)
          .transpose(0, 2, 1, 3)
          .reshape(n1))
    logits_t = jnp.transpose(pts_logits, (1, 0))

    mesh = plsc.VectorSubcoreMesh(
        core_axis_name="c", subcore_axis_name="s", num_cores=_NC)
    sc = pl.kernel(
        functools.partial(_sc_body, n1),
        out_type=jax.ShapeDtypeStruct((_NW, _L), jnp.float32),
        mesh=mesh,
        scratch_types=[
            pltpu.VMEM((n1 // _NW,), jnp.float32),
            pltpu.VMEM((n1 // _NW,), jnp.float32),
            pltpu.VMEM((_L,), jnp.float32),
            pltpu.SemaphoreType.DMA,
            pltpu.SemaphoreType.DMA,
        ],
    )
    partials = sc(preds, gt)

    s_cls = pl.pallas_call(
        _tc_body,
        out_shape=jax.ShapeDtypeStruct((1, 1), jnp.float32),
    )(logits_t)

    pts = jnp.float32(n2)
    loss_align = jnp.sum(partials) / pts
    loss_collinear = jnp.asarray(0.0, jnp.float32)
    loss_cls = 2.0 * s_cls[0, 0] / pts
    dvs = 3.0 * loss_align + loss_collinear + 0.2 * loss_cls
    return (loss_align, loss_collinear, loss_cls, dvs)

# --- scband reference (transcript-rebuilt; emitter-appended) ---
"""Pipeline reference for scband-dvsloss-56624848830780 (READ-ONLY COPY).

The authoritative reference and input builder live on the scoring server;
editing this copy changes nothing except your own understanding.
"""

import jax, jax.numpy as jnp
import numpy as np

LOSS_WEIGHTS = [3.0, 1.0, 0.2]


def pivot_dynamic_matching(cost_matrix):
    m, n = cost_matrix.shape
    min_cost = np.full((m, n), np.inf)
    mem_sort_value = np.full((m, n), np.inf)
    match_res1 = [[] for _ in range(n)]
    match_res2 = [[] for _ in range(n)]
    for j in range(n - m + 1):
        match_res1[j] = [0]
        mem_sort_value[0][j] = cost_matrix[0][0]
        if j == 0:
            min_cost[0][j] = cost_matrix[0][0]
    for i in range(1, m):
        for j in range(i, n - m + i + 1):
            min_cost[i][j] = mem_sort_value[i - 1][j - 1] + cost_matrix[i][j]
            if min_cost[i][j] < mem_sort_value[i][j - 1]:
                mem_sort_value[i][j] = min_cost[i][j]
                if i < m - 1:
                    match_res2[j] = match_res1[j - 1] + [j]
            else:
                mem_sort_value[i][j] = mem_sort_value[i][j - 1]
                if i < m - 1:
                    match_res2[j] = match_res2[j - 1]
        if i < m - 1:
            match_res1, match_res2 = (match_res2.copy(), [[] for _ in range(n)])
    return (min_cost[-1][-1], match_res1[-2] + [n - 1])


def compute_matched_indices(pred_pts, gt_pts):
    # torch.no_grad() equivalent: indices are constants; with m == n the DP's
    # comparison branch is forced every step, so the match depends only on the
    # static shapes of pred_pts/gt_pts, never on the traced values.
    m = int(np.prod(pred_pts.shape[1:])) // 2
    n = int(np.prod(gt_pts.shape[1:])) // 2
    cost = np.zeros((m, n))
    batch_matched_indices = []
    for b in range(pred_pts.shape[0]):
        _, matched_idx = pivot_dynamic_matching(cost)
        batch_matched_indices.append([np.asarray(matched_idx, dtype=np.int32)])
    return batch_matched_indices


def keypoint_alignment_loss(pred_pts, gt_pts, matched_indices):
    B = pred_pts.shape[0]
    mi = np.stack([np.asarray(matched_indices[b][0]) for b in range(B)])  # [B, L], L == P here
    L = mi.shape[1]
    pred_matched = jnp.take_along_axis(pred_pts, jnp.asarray(mi)[:, :, None], axis=1)
    gt_matched = gt_pts[:, 0, :L, :]
    total = jnp.abs(pred_matched - gt_matched).sum()  # sum of per-batch l1 sums
    pts = B * L
    return total / pts if pts > 0 else jnp.asarray(0.0, jnp.float32)


def collinear_interp_loss(pred_pts, gt_pts, matched_indices):
    total = jnp.asarray(0.0, jnp.float32)
    npts = 0
    P = pred_pts.shape[1]
    for b in range(pred_pts.shape[0]):
        mi = np.sort(np.asarray(matched_indices[b][0]))
        if len(mi) < 2:
            continue
        all_idx = np.arange(P)
        col_idx = all_idx[~np.isin(all_idx, mi)]
        if len(col_idx) == 0:
            continue
        gt_pivots = gt_pts[b, 0, :len(mi)]
        targets = []
        preds = []
        for i in range(len(mi) - 1):
            s, e = int(mi[i]), int(mi[i + 1])
            between = col_idx[(col_idx > s) & (col_idx < e)]
            if len(between) == 0:
                continue
            Rn = len(between)
            thetas = jnp.arange(1, Rn + 1, dtype=jnp.float32) / (Rn + 1)
            interp = (1 - thetas[:, None]) * gt_pivots[i] + thetas[:, None] * gt_pivots[i + 1]
            targets.append(interp)
            preds.append(pred_pts[b, jnp.asarray(between)])
        if len(targets) == 0:
            continue
        t = jnp.concatenate(targets)
        p = jnp.concatenate(preds)
        total = total + jnp.abs(p - t).sum()
        npts += int(t.shape[0])
    return total / npts if npts > 0 else jnp.asarray(0.0, jnp.float32)


def point_classification_loss(pt_logits, matched_indices):
    B, P = pt_logits.shape
    labels = np.zeros((B, P), dtype=np.float32)
    for b in range(B):
        labels[b, np.asarray(matched_indices[b][0])] = 1.0
    y = jnp.asarray(labels.reshape(-1))
    x = pt_logits.reshape(-1)
    pw = 2.0
    # BCEWithLogits with pos_weight: mean(pw*y*softplus(-x) + (1-y)*softplus(x))
    return jnp.mean(pw * y * jax.nn.softplus(-x) + (1.0 - y) * jax.nn.softplus(x))


def setup_inputs(seed: int = 0) -> dict:
    key = jax.random.key(seed)
    k1, k2, k3 = jax.random.split(key, 3)
    B, P = 2048, 20
    pts_preds = jax.random.uniform(k1, (B, P, 2), dtype=jnp.float32)
    pts_logits = jax.random.normal(k2, (B, P), dtype=jnp.float32)
    gt_pts = jax.random.uniform(k3, (B, 1, P, 2), dtype=jnp.float32)
    return {"pts_preds": pts_preds, "pts_logits": pts_logits, "gt_pts": gt_pts}


def reference(pts_preds, pts_logits, gt_pts):
    matched_indices = compute_matched_indices(pts_preds, gt_pts)
    loss_align = keypoint_alignment_loss(pts_preds, gt_pts, matched_indices)
    loss_collinear = collinear_interp_loss(pts_preds, gt_pts, matched_indices)
    loss_pivot_cls = point_classification_loss(pts_logits, matched_indices)
    dvs_loss = LOSS_WEIGHTS[0] * loss_align + LOSS_WEIGHTS[1] * loss_collinear + LOSS_WEIGHTS[2] * loss_pivot_cls
    return (jnp.asarray(loss_align, jnp.float32), jnp.asarray(loss_collinear, jnp.float32), jnp.asarray(loss_pivot_cls, jnp.float32), jnp.asarray(dvs_loss, jnp.float32))

if __name__ == "__main__":
    import jax
    _d = setup_inputs()
    print(jax.jit(kernel)(*tuple(_d.values())))

</pallas_src>

<mosaic_0001>
#map = affine_map<(d0, d1) -> (0)>
#map1 = affine_map<(d0, d1) -> (0, 0)>
module attributes {stable_mosaic.version = 14 : i64} {
  func.func @_sc_body(%arg0: i32, %arg1: i32, %arg2: memref<81920xf32, #tpu.memory_space<hbm>>, %arg3: memref<81920xf32, #tpu.memory_space<hbm>>, %arg4: memref<16x16xf32, #tpu.memory_space<hbm>>, %arg5: memref<5120xf32, #tpu.memory_space<vmem>>, %arg6: memref<5120xf32, #tpu.memory_space<vmem>>, %arg7: memref<16xf32, #tpu.memory_space<vmem>>, %arg8: memref<!tpu.dma_semaphore, #tpu.memory_space<semaphore_mem>>, %arg9: memref<!tpu.dma_semaphore, #tpu.memory_space<semaphore_mem>>) attributes {dimension_semantics = [#tpu.dimension_semantics<core_parallel>, #tpu.dimension_semantics<subcore_parallel>], iteration_bounds = array<i64: 1, 16>, scalar_prefetch = 0 : i64, scratch_operands = 5 : i64, tpu.core_type = #tpu.core_type<sc_vector_subcore>, window_params = [{transform_indices = #map}, {transform_indices = #map}, {transform_indices = #map1}]} {
    %mul3A = arith.constant 1 : i32
    %mul3A_0 = arith.muli %arg1, %mul3A : i32
    %add3A = arith.addi %mul3A_0, %arg0 : i32
    %mul3A_1 = arith.constant 5120 : i32
    %mul3A_2 = arith.muli %add3A, %mul3A_1 : i32
    %dma_start3A = tpu.memref_slice %arg2[%mul3A_2] : memref<81920xf32, #tpu.memory_space<hbm>> -> memref<5120xf32, #tpu.memory_space<hbm>>
    %dma_start3A_3 = tpu.memref_slice %arg2[%mul3A_2] : memref<81920xf32, #tpu.memory_space<hbm>> -> memref<5120xf32, #tpu.memory_space<hbm>>
    tpu.enqueue_dma source(%dma_start3A_3 : memref<5120xf32, #tpu.memory_space<hbm>>) target(%arg5 : memref<5120xf32, #tpu.memory_space<vmem>>) target_semaphore(%arg8 : memref<!tpu.dma_semaphore, #tpu.memory_space<semaphore_mem>>)
    %mul3A_4 = arith.constant 5120 : i32
    %mul3A_5 = arith.muli %add3A, %mul3A_4 : i32
    %dma_start3A_6 = tpu.memref_slice %arg3[%mul3A_5] : memref<81920xf32, #tpu.memory_space<hbm>> -> memref<5120xf32, #tpu.memory_space<hbm>>
    %dma_start3A_7 = tpu.memref_slice %arg3[%mul3A_5] : memref<81920xf32, #tpu.memory_space<hbm>> -> memref<5120xf32, #tpu.memory_space<hbm>>
    tpu.enqueue_dma source(%dma_start3A_7 : memref<5120xf32, #tpu.memory_space<hbm>>) target(%arg6 : memref<5120xf32, #tpu.memory_space<vmem>>) target_semaphore(%arg9 : memref<!tpu.dma_semaphore, #tpu.memory_space<semaphore_mem>>)
    %dma_wait3A = tpu.memref_slice %arg2[%mul3A_2] : memref<81920xf32, #tpu.memory_space<hbm>> -> memref<5120xf32, #tpu.memory_space<hbm>>
    %dma_wait3A_8 = tpu.memref_slice %arg2[%mul3A_2] : memref<81920xf32, #tpu.memory_space<hbm>> -> memref<5120xf32, #tpu.memory_space<hbm>>
    tpu.wait_dma2 semaphore(%arg8 : memref<!tpu.dma_semaphore, #tpu.memory_space<semaphore_mem>>) src(%dma_wait3A_8 : memref<5120xf32, #tpu.memory_space<hbm>>) dst(%arg5 : memref<5120xf32, #tpu.memory_space<vmem>>)
    %dma_wait3A_9 = tpu.memref_slice %arg3[%mul3A_5] : memref<81920xf32, #tpu.memory_space<hbm>> -> memref<5120xf32, #tpu.memory_space<hbm>>
    %dma_wait3A_10 = tpu.memref_slice %arg3[%mul3A_5] : memref<81920xf32, #tpu.memory_space<hbm>> -> memref<5120xf32, #tpu.memory_space<hbm>>
    tpu.wait_dma2 semaphore(%arg9 : memref<!tpu.dma_semaphore, #tpu.memory_space<semaphore_mem>>) src(%dma_wait3A_10 : memref<5120xf32, #tpu.memory_space<hbm>>) dst(%arg6 : memref<5120xf32, #tpu.memory_space<vmem>>)
    %broadcast_in_dim3A = arith.constant 0.000000e+00 : f32
    %broadcast_in_dim3A_11 = vector.broadcast %broadcast_in_dim3A : f32 to vector<16xf32>
    %scan3A = arith.constant 0 : i32
    %scan3A_12 = arith.constant 80 : i32
    %scan3A_13 = arith.addi %scan3A, %scan3A_12 : i32
    %scan3A_14 = arith.constant 1 : i32
    %scan3A_15 = scf.for %scan3A_20 = %scan3A to %scan3A_13 step %scan3A_14 iter_args(%scan3A_21 = %broadcast_in_dim3A_11) -> (vector<16xf32>)  : i32 {
      %mul3A_22 = arith.constant 4 : i32
      %mul3A_23 = arith.muli %scan3A_20, %mul3A_22 : i32
      %add3A_24 = arith.constant 0 : i32
      %add3A_25 = arith.addi %mul3A_23, %add3A_24 : i32
      %mul3A_26 = arith.constant 16 : i32
      %mul3A_27 = arith.muli %add3A_25, %mul3A_26 : i32
      %get3A = arith.index_cast %mul3A_27 : i32 to index
      %get3A_28 = tpu.vector_load %arg5[%get3A] {strides = array<i32>} : memref<5120xf32, #tpu.memory_space<vmem>>, vector<16xf32>,
      %get3A_29 = vector.shape_cast %get3A_28 : vector<16xf32> to vector<16xf32>
      %mul3A_30 = arith.constant 4 : i32
      %mul3A_31 = arith.muli %scan3A_20, %mul3A_30 : i32
      %add3A_32 = arith.constant 0 : i32
      %add3A_33 = arith.addi %mul3A_31, %add3A_32 : i32
      %mul3A_34 = arith.constant 16 : i32
      %mul3A_35 = arith.muli %add3A_33, %mul3A_34 : i32
      %get3A_36 = arith.index_cast %mul3A_35 : i32 to index
      %get3A_37 = tpu.vector_load %arg6[%get3A_36] {strides = array<i32>} : memref<5120xf32, #tpu.memory_space<vmem>>, vector<16xf32>,
      %get3A_38 = vector.shape_cast %get3A_37 : vector<16xf32> to vector<16xf32>
      %sub3A = arith.subf %get3A_29, %get3A_38 : vector<16xf32>
      %abs3A = math.absf %sub3A : vector<16xf32>
      %add3A_39 = arith.addf %scan3A_21, %abs3A : vector<16xf32>
      %mul3A_40 = arith.constant 4 : i32
      %mul3A_41 = arith.muli %scan3A_20, %mul3A_40 : i32
      %add3A_42 = arith.constant 1 : i32
      %add3A_43 = arith.addi %mul3A_41, %add3A_42 : i32
      %mul3A_44 = arith.constant 16 : i32
      %mul3A_45 = arith.muli %add3A_43, %mul3A_44 : i32
      %get3A_46 = arith.index_cast %mul3A_45 : i32 to index
      %get3A_47 = tpu.vector_load %arg5[%get3A_46] {strides = array<i32>} : memref<5120xf32, #tpu.memory_space<vmem>>, vector<16xf32>,
      %get3A_48 = vector.shape_cast %get3A_47 : vector<16xf32> to vector<16xf32>
      %mul3A_49 = arith.constant 4 : i32
      %mul3A_50 = arith.muli %scan3A_20, %mul3A_49 : i32
      %add3A_51 = arith.constant 1 : i32
      %add3A_52 = arith.addi %mul3A_50, %add3A_51 : i32
      %mul3A_53 = arith.constant 16 : i32
      %mul3A_54 = arith.muli %add3A_52, %mul3A_53 : i32
      %get3A_55 = arith.index_cast %mul3A_54 : i32 to index
      %get3A_56 = tpu.vector_load %arg6[%get3A_55] {strides = array<i32>} : memref<5120xf32, #tpu.memory_space<vmem>>, vector<16xf32>,
      %get3A_57 = vector.shape_cast %get3A_56 : vector<16xf32> to vector<16xf32>
      %sub3A_58 = arith.subf %get3A_48, %get3A_57 : vector<16xf32>
      %abs3A_59 = math.absf %sub3A_58 : vector<16xf32>
      %add3A_60 = arith.addf %add3A_39, %abs3A_59 : vector<16xf32>
      %mul3A_61 = arith.constant 4 : i32
      %mul3A_62 = arith.muli %scan3A_20, %mul3A_61 : i32
      %add3A_63 = arith.constant 2 : i32
      %add3A_64 = arith.addi %mul3A_62, %add3A_63 : i32
      %mul3A_65 = arith.constant 16 : i32
      %mul3A_66 = arith.muli %add3A_64, %mul3A_65 : i32
      %get3A_67 = arith.index_cast %mul3A_66 : i32 to index
      %get3A_68 = tpu.vector_load %arg5[%get3A_67] {strides = array<i32>} : memref<5120xf32, #tpu.memory_space<vmem>>, vector<16xf32>,
      %get3A_69 = vector.shape_cast %get3A_68 : vector<16xf32> to vector<16xf32>
      %mul3A_70 = arith.constant 4 : i32
      %mul3A_71 = arith.muli %scan3A_20, %mul3A_70 : i32
      %add3A_72 = arith.constant 2 : i32
      %add3A_73 = arith.addi %mul3A_71, %add3A_72 : i32
      %mul3A_74 = arith.constant 16 : i32
      %mul3A_75 = arith.muli %add3A_73, %mul3A_74 : i32
      %get3A_76 = arith.index_cast %mul3A_75 : i32 to index
      %get3A_77 = tpu.vector_load %arg6[%get3A_76] {strides = array<i32>} : memref<5120xf32, #tpu.memory_space<vmem>>, vector<16xf32>,
      %get3A_78 = vector.shape_cast %get3A_77 : vector<16xf32> to vector<16xf32>
      %sub3A_79 = arith.subf %get3A_69, %get3A_78 : vector<16xf32>
      %abs3A_80 = math.absf %sub3A_79 : vector<16xf32>
      %add3A_81 = arith.addf %add3A_60, %abs3A_80 : vector<16xf32>
      %mul3A_82 = arith.constant 4 : i32
      %mul3A_83 = arith.muli %scan3A_20, %mul3A_82 : i32
      %add3A_84 = arith.constant 3 : i32
      %add3A_85 = arith.addi %mul3A_83, %add3A_84 : i32
      %mul3A_86 = arith.constant 16 : i32
      %mul3A_87 = arith.muli %add3A_85, %mul3A_86 : i32
      %get3A_88 = arith.index_cast %mul3A_87 : i32 to index
      %get3A_89 = tpu.vector_load %arg5[%get3A_88] {strides = array<i32>} : memref<5120xf32, #tpu.memory_space<vmem>>, vector<16xf32>,
      %get3A_90 = vector.shape_cast %get3A_89 : vector<16xf32> to vector<16xf32>
      %mul3A_91 = arith.constant 4 : i32
      %mul3A_92 = arith.muli %scan3A_20, %mul3A_91 : i32
      %add3A_93 = arith.constant 3 : i32
      %add3A_94 = arith.addi %mul3A_92, %add3A_93 : i32
      %mul3A_95 = arith.constant 16 : i32
      %mul3A_96 = arith.muli %add3A_94, %mul3A_95 : i32
      %get3A_97 = arith.index_cast %mul3A_96 : i32 to index
      %get3A_98 = tpu.vector_load %arg6[%get3A_97] {strides = array<i32>} : memref<5120xf32, #tpu.memory_space<vmem>>, vector<16xf32>,
      %get3A_99 = vector.shape_cast %get3A_98 : vector<16xf32> to vector<16xf32>
      %sub3A_100 = arith.subf %get3A_90, %get3A_99 : vector<16xf32>
      %abs3A_101 = math.absf %sub3A_100 : vector<16xf32>
      %add3A_102 = arith.addf %add3A_81, %abs3A_101 : vector<16xf32>
      scf.yield %add3A_102 : vector<16xf32>
    }
    %scan3A_16 = arith.constant 80 : i32
    %swap3A = arith.constant 0 : index
    %swap3A_17 = tpu.vector_load %arg7[%swap3A] {strides = array<i32>} : memref<16xf32, #tpu.memory_space<vmem>>, vector<16xf32>,
    %swap3A_18 = vector.shape_cast %swap3A_17 : vector<16xf32> to vector<16xf32>
    %swap3A_19 = vector.shape_cast %scan3A_15 : vector<16xf32> to vector<16xf32>
    tpu.vector_store %arg7[%swap3A], %swap3A_19 {strides = array<i32>} : memref<16xf32, #tpu.memory_space<vmem>>, vector<16xf32>,
    "tpu.region"() ({
      %run_scoped3A = tpu.sem_alloc : memref<!tpu.dma_semaphore, #tpu.memory_space<semaphore_mem>>
      %dma_start3A_20 = arith.constant 0 : i32
      %dma_start3A_21 = tpu.memref_slice %arg4[%add3A, %dma_start3A_20] : memref<16x16xf32, #tpu.memory_space<hbm>> -> memref<1x16xf32, #tpu.memory_space<hbm>>
      %dma_start3A_22 = tpu.memref_squeeze %dma_start3A_21 : memref<1x16xf32, #tpu.memory_space<hbm>> -> memref<16xf32, #tpu.memory_space<hbm>>
      %dma_start3A_23 = arith.constant 0 : i32
      %dma_start3A_24 = tpu.memref_slice %arg4[%add3A, %dma_start3A_23] : memref<16x16xf32, #tpu.memory_space<hbm>> -> memref<1x16xf32, #tpu.memory_space<hbm>>
      %dma_start3A_25 = tpu.memref_squeeze %dma_start3A_24 : memref<1x16xf32, #tpu.memory_space<hbm>> -> memref<16xf32, #tpu.memory_space<hbm>>
      tpu.enqueue_dma source(%arg7 : memref<16xf32, #tpu.memory_space<vmem>>) target(%dma_start3A_25 : memref<16xf32, #tpu.memory_space<hbm>>) target_semaphore(%run_scoped3A : memref<!tpu.dma_semaphore, #tpu.memory_space<semaphore_mem>>)
      %dma_wait3A_26 = arith.constant 0 : i32
      %dma_wait3A_27 = tpu.memref_slice %arg4[%add3A, %dma_wait3A_26] : memref<16x16xf32, #tpu.memory_space<hbm>> -> memref<1x16xf32, #tpu.memory_space<hbm>>
      %dma_wait3A_28 = tpu.memref_squeeze %dma_wait3A_27 : memref<1x16xf32, #tpu.memory_space<hbm>> -> memref<16xf32, #tpu.memory_space<hbm>>
      %dma_wait3A_29 = arith.constant 0 : i32
      %dma_wait3A_30 = tpu.memref_slice %arg4[%add3A, %dma_wait3A_29] : memref<16x16xf32, #tpu.memory_space<hbm>> -> memref<1x16xf32, #tpu.memory_space<hbm>>
      %dma_wait3A_31 = tpu.memref_squeeze %dma_wait3A_30 : memref<1x16xf32, #tpu.memory_space<hbm>> -> memref<16xf32, #tpu.memory_space<hbm>>
      tpu.wait_dma2 semaphore(%run_scoped3A : memref<!tpu.dma_semaphore, #tpu.memory_space<semaphore_mem>>) src(%arg7 : memref<16xf32, #tpu.memory_space<vmem>>) dst(%dma_wait3A_31 : memref<16xf32, #tpu.memory_space<hbm>>)
      tpu.yield
    }) : () -> ()
    return
  }
}

module attributes {stable_mosaic.version = 14 : i64} {
  func.func @_tc_body(%arg0: memref<20x2048xf32, #tpu.memory_space<vmem>>, %arg1: memref<1x1xf32, #tpu.memory_space<vmem>>) attributes {dimension_semantics = [], scalar_prefetch = 0 : i64, scratch_operands = 0 : i64, tpu.core_type = #tpu.core_type<tc>} {
    %get3A = arith.constant 0 : index
    %get3A_0 = arith.constant 0 : index
    %get3A_1 = vector.load %arg0[%get3A, %get3A_0] : memref<20x2048xf32, #tpu.memory_space<vmem>>, vector<20x2048xf32>
    %neg3A = arith.constant 0.000000e+00 : f32
    %neg3A_2 = vector.broadcast %neg3A : f32 to vector<20x2048xf32>
    %neg3A_3 = arith.subf %neg3A_2, %get3A_1 : vector<20x2048xf32>
    %max3A = arith.constant 0.000000e+00 : f32
    %max3A_4 = vector.broadcast %max3A : f32 to vector<20x2048xf32>
    %max3A_5 = arith.maximumf %neg3A_3, %max3A_4 : vector<20x2048xf32>
    %abs3A = math.absf %get3A_1 : vector<20x2048xf32>
    %neg3A_6 = arith.constant 0.000000e+00 : f32
    %neg3A_7 = vector.broadcast %neg3A_6 : f32 to vector<20x2048xf32>
    %neg3A_8 = arith.subf %neg3A_7, %abs3A : vector<20x2048xf32>
    %exp3A = math.exp %neg3A_8 : vector<20x2048xf32>
    %log1p3A = math.log1p %exp3A : vector<20x2048xf32>
    %add3A = arith.addf %max3A_5, %log1p3A : vector<20x2048xf32>
    %reduce_sum3A = vector.shape_cast %add3A : vector<20x2048xf32> to vector<1x20x2048xf32>
    %reduce_sum3A_9 = arith.constant dense<0.000000e+00> : vector<1xf32>
    %reduce_sum3A_10 = vector.multi_reduction <add>, %reduce_sum3A, %reduce_sum3A_9 [1, 2] : vector<1x20x2048xf32> to vector<1xf32>
    %reduce_sum3A_11 = vector.shape_cast %reduce_sum3A_10 : vector<1xf32> to vector<1x1x1xf32>
    %reduce_sum3A_12 = vector.extract %reduce_sum3A_11[0, 0, 0] : f32 from vector<1x1x1xf32>
    %reshape3A = vector.broadcast %reduce_sum3A_12 : f32 to vector<1x1xf32>
    %swap3A = arith.constant 0 : index
    %swap3A_13 = arith.constant 0 : index
    %swap3A_14 = vector.load %arg1[%swap3A, %swap3A_13] : memref<1x1xf32, #tpu.memory_space<vmem>>, vector<1x1xf32>
    tpu.vector_store %arg1[%swap3A, %swap3A_13], %reshape3A {strides = array<i32>} : memref<1x1xf32, #tpu.memory_space<vmem>>, vector<1x1xf32>,
    return
  }
}

</mosaic_0001>

<sc_bundles>
// kernel: kernel.4.cloned.1.call-start
scs
__scs_entry_jumppad:
0x0: {  	(pc) =	sbr.rel $0x88, $3  }
0x1: {  	(tag) =	ssettag $0x0;
	lr =	simm.s32 $0x1  }
0x2: {  	[smem:$0x3F9E] =	sst lr;
	_ =	strace $0xD0000000  }
0x3: {  	_ = 	snop  }
0x4: {  	_ = 	snop  }
0x5: {  	_ = 	snop  }
0x6: {  	_ = 	snop  }
0x7: {  	_ = 	snop  }
__scs_overlays_trampoline_lowered:
0x8: {  	[smem:$0x3FAD] =	sst s0  }
0x9: {  	[smem:$0x3FAE] =	sst s1  }
0xa: {  	[smem:$0x3FAF] =	sst s2  }
0xb: {  	[smem:$0x3FB0] =	sst s3  }
0xc: {  	[smem:$0x3FB1] =	sst s4  }
0xd: {  	[smem:$0x3FB2] =	sst s5  }
0xe: {  	[smem:$0x3FB3] =	sst s6  }
0xf: {  	[smem:$0x3FB4] =	sst s7  }
0x10: {  	[smem:$0x3FB5] =	sst s8  }
0x11: {  	[smem:$0x3FB6] =	sst s9;
	s0 =	simm.s32 @!p0 $0x0  }
0x12: {  	s1 =	sld [smem:$0x3F9C];
	s0 =	simm.s32 @p0 $0x1  }
0x13: {  	[smem:$0x3FB7] =	sst s0;
	s0 =	simm.s32 @!p1 $0x0  }
0x14: {  	s2 =	sld [smem:$0x3F9B];
	s0 =	simm.s32 @p1 $0x1  }
0x15: {  	[smem:$0x3FB8] =	sst s0;
	s0 =	simm.s32 @!p2 $0x0  }
0x16: {  	s3 =	sld [smem:$0x3FDB];
	s0 =	simm.s32 @p2 $0x1  }
0x17: {  	s4 =	simm.s32 $0x1BF5;
	[smem:$0x3FBA] =	sst s0  }
0x18: {  	s0 =	sld [smem:$0x3F9D];
	_ =	swait.ge [sflag:s4], $0x0  }
0x19: {  	s7 =	sld [smem:$0x3F9E]  }
0x1a: {  	s8 =	sadd.s32 $0xFFFFE003, lr  }
0x1b: {  	s9 =	sadd.s32 $0xFFFFFEF7, lr;
	s5 =	simm.s32 $0xFFFFFFFF;
	p2 =	slt.u32 s8, $0xFFFFF086  }
0x1c: {  	p1 =	slt.u32 s9, $0xF7A;
	s5 =	simm.s32 @!p2 $0x0  }
0x1d: {  	s5 =	simm.s32 @p1 $0x1;
	p0 =	seq.s32 s7, s2  }
0x1e: {  	s7 =	smul.u32 @!p0 $0xF7A, s2;
	p2 =	seq.s32 @!p0 s5, $0x0  }
0x1f: {  	s9 =	smul.u32 $0xF7A, s1;
	s8 =	simm.s32 @!p0 $0x1BF5;
	p2 =	por !p2, p0  }
0x20: {  	[sflag:s8] =	ssyncset.s32 @!p0 $0xFFFFF086;
	s6 =	sadd.s32 @!p0 s3, s7;
	s7 =	simm.s32 @!p0 $0x108  }
0x21: {  	s3 =	sadd.s32 s3, s9;
	s6 =	sadd.s32 @!p0 $0x88, s6;
	s7 =	simm.s32 @p2 $0x1082  }
0x22: {  	[simem:s7], [sflag:s8] =	dma.local @!p0 [hbm:s6], $0xF7A  }
0x23: {  	s9 =	sor.u32 $0xD0000000, s2;
	s6 =	simm.s32 $0x108;
	_ =	swait.ge @!p0 [sflag:s8], $0x0  }
0x24: {  	s3 =	sadd.s32 $0x88, s3;
	s6 =	simm.s32 @!p1 $0x1082;
	[sflag:s4] =	ssyncset.s32 $0xFFFFF086  }
0x25: {  	[simem:s6], [sflag:s4] =	dma.local [hbm:s3], $0xF7A  }
0x26: {  	[smem:$0x3F9E] =	sst s1;
	(tag) =	ssettag s2;
	_ =	strace s9  }
0x27: {  	s1 =	sld [smem:$0x3FAE]  }
0x28: {  	s2 =	sld [smem:$0x3FAF]  }
0x29: {  	s4 =	sld [smem:$0x3FB1]  }
0x2a: {  	p0 =	seq.s32 s5, $0x0;
	s5 =	sld [smem:$0x3FB2]  }
0x2b: {  	s6 =	sld [smem:$0x3FB3]  }
0x2c: {  	s7 =	sld [smem:$0x3FB4]  }
0x2d: {  	s3 =	simm.s32 $0x108;
	s8 =	sld [smem:$0x3FB5]  }
0x2e: {  	s3 =	simm.s32 @!p0 $0x1082;
	s9 =	sld [smem:$0x3FB6]  }
0x2f: {  	lr =	sadd.s32 s0, s3;
	s0 =	sld [smem:$0x3FAD]  }
0x30: {  	s3 =	sld [smem:$0x3FB0]  }
0x31: {  	[smem:$0x3FB9] =	sst s10  }
0x32: {  	s10 =	sld [smem:$0x3FB7];
	_ =	sdelay $0x3  }
0x33: {  	p0 =	seq.s32 s10, $0x1;
	s10 =	sld [smem:$0x3FB9];
	_ =	sdelay $0x3  }
0x34: {  	[smem:$0x3FB9] =	sst s10  }
0x35: {  	s10 =	sld [smem:$0x3FB8];
	_ =	sdelay $0x3  }
0x36: {  	p1 =	seq.s32 s10, $0x1;
	s10 =	sld [smem:$0x3FB9];
	_ =	sdelay $0x3  }
0x37: {  	[smem:$0x3FB9] =	sst s10  }
0x38: {  	s10 =	sld [smem:$0x3FBA]  }
0x39: {  	_ = 	snop;
	(pc) =	sbr.ind lr, $3  }
0x3a: {  	_ = 	snop  }
0x3b: {  	_ = 	snop  }
0x3c: {  	p2 =	seq.s32 s10, $0x1;
	s10 =	sld [smem:$0x3FB9]  }
0x3d: {  	_ =	shalt  }
0x3e: {  	_ =	shalt  }
0x3f: {  	_ =	shalt  }
0x40: {  	_ =	shalt  }
0x41: {  	_ =	shalt  }
0x42: {  	_ =	shalt  }
0x43: {  	_ =	shalt  }
0x44: {  	_ =	shalt  }
0x45: {  	_ =	shalt  }
0x46: {  	_ =	shalt  }
0x47: {  	_ =	shalt  }
0x48: {  	_ =	shalt  }
0x49: {  	_ =	shalt  }
0x4a: {  	_ =	shalt  }
0x4b: {  	_ =	shalt  }
0x4c: {  	_ =	shalt  }
0x4d: {  	_ =	shalt  }
0x4e: {  	_ =	shalt  }
0x4f: {  	_ =	shalt  }
0x50: {  	_ =	shalt  }
0x51: {  	_ =	shalt  }
0x52: {  	_ =	shalt  }
0x53: {  	_ =	shalt  }
0x54: {  	_ =	shalt  }
0x55: {  	_ =	shalt  }
0x56: {  	_ =	shalt  }
0x57: {  	_ =	shalt  }
0x58: {  	_ =	shalt  }
0x59: {  	_ =	shalt  }
0x5a: {  	_ =	shalt  }
0x5b: {  	_ =	shalt  }
0x5c: {  	_ =	shalt  }
0x5d: {  	_ =	shalt  }
0x5e: {  	_ =	shalt  }
0x5f: {  	_ =	shalt  }
0x60: {  	_ =	shalt  }
0x61: {  	_ =	shalt  }
0x62: {  	_ =	shalt  }
0x63: {  	_ =	shalt  }
0x64: {  	_ =	shalt  }
0x65: {  	_ =	shalt  }
0x66: {  	_ =	shalt  }
0x67: {  	_ =	shalt  }
0x68: {  	_ =	shalt  }
0x69: {  	_ =	shalt  }
0x6a: {  	_ =	shalt  }
0x6b: {  	_ =	shalt  }
0x6c: {  	_ =	shalt  }
0x6d: {  	_ =	shalt  }
0x6e: {  	_ =	shalt  }
0x6f: {  	_ =	shalt  }
0x70: {  	_ =	shalt  }
0x71: {  	_ =	shalt  }
0x72: {  	_ =	shalt  }
0x73: {  	_ =	shalt  }
0x74: {  	_ =	shalt  }
0x75: {  	_ =	shalt  }
0x76: {  	_ =	shalt  }
0x77: {  	_ =	shalt  }
0x78: {  	_ =	shalt  }
0x79: {  	_ =	shalt  }
0x7a: {  	_ =	shalt  }
0x7b: {  	_ =	shalt  }
0x7c: {  	_ =	shalt  }
0x7d: {  	_ =	shalt  }
0x7e: {  	_ =	shalt  }
0x7f: {  	_ =	shalt  }
0x80: {  	_ =	shalt  }
0x81: {  	_ =	shalt  }
0x82: {  	_ =	shalt  }
0x83: {  	_ =	shalt  }
0x84: {  	_ =	shalt  }
0x85: {  	_ =	shalt  }
0x86: {  	_ =	shalt  }
0x87: {  	_ =	shalt  }
.Lfunc_end0:
.L_simem_size_0:
called_computation_lowered:
.L_overlay_start_0:
0x88: {  	s0 =	sld [smem:$0x3FD9]  }
0x89: {  	s1 =	sld [smem:$0x3FFE];
	_ =	sdelay $0x3  }
0x8a: {  	s0 =	sadd.s32 s1, s0  }
0x8b: {  	[smem:$0x3FC5] =	sst s0  }
0x8c: {  	_ = 	snop  }
0x8d: {  	s0 =	sld [smem:$0x3FC9]  }
0x8e: {  	s16 =	sld [smem:$0x3FC7];
	(tm) =	ssettm $0x1  }
0x8f: {  	s2 =	sld [smem:$0x3FFB];
	_ =	sdelay $0x3  }
0x90: {  	_ =	strace s2  }
0x91: {  	s2 =	sld [smem:$0x3FFC];
	_ =	sdelay $0x3  }
0x92: {  	_ =	strace s2  }
0x93: {  	s2 =	sld [smem:$0x3FFD];
	_ =	sdelay $0x3  }
0x94: {  	_ =	strace s2  }
0x95: {  	_ =	strace $0x8FFFFFFF  }
0x96: {  	s17 =	sld [smem:$0x3FDB];
	_ =	sdelay $0x1  }
0x97: {  	s3 =	simm.s32 $_scs_section_size  }
0x98: {  	s4 =	simm.s32 $_size__tile_overlayer_lowered;
	s5 =	simm.s32 $_tile_overlayer_lowered  }
0x99: {  	s20 =	simm.s32 $0x1BFF;
	s19 =	sshll.u32 s5, $0x1;
	s2 =	sadd.s32 s3, s17  }
0x9a: {  	s6 =	simm.s32 $0x0;
	s18 =	sshll.u32 s4, $0x1;
	s4 =	sadd.s32 s19, s2  }
0x9b: {  	[timem:s6], [sflag:s20] =	dma.local [hbm:s4], s18  }
0x9c: {  	_ =	swait.ge [sflag:s20], s18  }
0x9d: {  	s3 =	ssub.s32 $0x0, s18;
	[sflag:s20] =	ssyncset.done $0x0  }
0x9e: {  	[sflag:s20] =	ssyncadd.s32 s3;
	_ =	sdelay $0x1  }
0x9f: {  	s21 =	simm.s32 $0x1B8B  }
0xa0: {  	_ =	swait.ge [sflag:s21], $0x1  }
0xa1: {  	[sflag:s21] =	ssyncset.done $0x0  }
0xa2: {  	s23 =	simm.s32 $0x1B8E;
	s22 =	sld [smem:$0x3FFE];
	[sflag:s21] =	ssyncadd.s32 $0xFFFFFFFF  }
0xa3: {  	s24 =	simm.s32 $execute0_lowered;
	[smem:$0x3FD2] =	sst s23  }
0xa4: {  	s4 =	sshll.u32 s24, $0x1;
	_ =	strace $0x80000046;
	[dreg:$0x1] =	wrdreg $0xFFFFFFFF  }
0xa5: {  	s25 =	simm.s32 $_size_execute0_lowered;
	s2 =	sadd.s32 s2, s4;
	[dreg:$0x0] =	wrdreg $0x0  }
0xa6: {  	s4 =	sshll.u32 s25, $0x1;
	[dreg:$0x2] =	wrdreg s2  }
0xa7: {  	[dreg:$0x3] =	wrdreg s4  }
0xa8: {  	[dreg:$0x4] =	wrdreg $0xC0  }
0xa9: {  	_ =	task [dreg:s6], $0x5FFFF  }
0xaa: {  	[dreg:$0x1] =	wrdreg $0xFFFFFFFF  }
0xab: {  	[dreg:$0x0] =	wrdreg $0x60  }
0xac: {  	[dreg:$0x2] =	wrdreg s0  }
0xad: {  	[dreg:$0x3] =	wrdreg s16  }
0xae: {  	[dreg:$0x4] =	wrdreg s22  }
0xaf: {  	[dreg:$0x5] =	wrdreg $0x9  }
0xb0: {  	_ =	task.clear_ibuf [dreg:s6], $0x6FFFF;
	_ =	strace $0x90000046  }
0xb1: {  	s26 =	simm.s32 $0x9;
	_ =	strace $0x80000048  }
0xb2: {  	_ =	swait.ge [sflag:s26], $0x1  }
0xb3: {  	[sflag:s26] =	ssyncadd.s32 $0xFFFFFFFF  }
0xb4: {  	_ =	strace $0x90000048  }
0xb5: {  	_ =	sfence  }
0xb6: {  	s28 =	sld [smem:$0x0];
	_ =	sdelay $0x1  }
0xb7: {  	s29 =	srdreg.scid  }
0xb8: {  	s30 =	sshll.u32 s29, $0xD;
	s31 =	sshrl.u32 s29, $0x2  }
0xb9: {  	s1 =	sand.u32 $0x1, s29;
	s2 =	sand.u32 $0x4000, s30;
	s0 =	sadd.s32 s31, s28  }
0xba: {  	s1 =	sor.u32 s2, s1;
	s0 =	sshll.u32 s0, $0x11  }
0xbb: {  	s0 =	sor.u32 s0, s1  }
0xbc: {  	s0 =	sadd.s32 $0x8F2B, s0  }
0xbd: {  	[sflag:s0] =	ssyncadd.remote.s32 $0x1  }
0xbe: {  	_ =	sfence.sel $0xFFFF  }
0xbf: {  	[dreg:$0x0] =	wrdreg $0xFFFFFFFF;
	(pc) =	sbr.abs _section_cstart, $3  }
0xc0: {  	[dreg:$0x1] =	wrdreg $0xFFFFFFFF  }
0xc1: {  	_ =	task.clear_ibuf [dreg:s6], $0x2FFFF;
	_ =	strace $0x9FFFFFFF  }
0xc2: {  	(tm) =	ssettm $0x7FFFFFFF  }
0xc3: {  	_ =	shalt  }
tec
execute0_lowered:
.L_overlay_start_1:
0x0: {  	(tag) =	ssettag $0x1  }
0x1: {  	s2 =	rddreg [dreg:$0x0]  }
0x2: {  	s3 =	rddreg [dreg:$0x1];
	s1 =	stileid.u32  }
0x3: {  	s4 =	rddreg [dreg:$0x2];
	s5 =	simm.s32 $0x0;
	s6 =	smul.u32 $0x280, s1  }
0x4: {  	[smem:$0x7FF] =	sst s5  }
0x5: {  	s0 =	rddreg [dreg:$0x3];
	_ =	strace $0x80000047;
	s2 =	sadd.s32 s2, s6  }
0x6: {  	[tilespmem:s5], [sflag:$0x1] =	stream.linear.gather [hbm4b:s2+s5], $0x1400, $0x38;
	[tilespmem:$0x2880] =	vst v63  }
0x7: {  	s28 =	simm.s32 $0x1400;
	s29 =	simm.s32 $0x1;
	s26 =	sadd.s32 s3, s6  }
0x8: {  	[tilespmem:s28], [sflag:$0x2] =	stream.linear.gather [hbm4b:s26+s5], $0x1400, $0x38;
	[tilespmem:$0x2880] =	vst v63  }
0x9: {  	_ =	swait.ge [sflag:s29], $0x1400  }
0xa: {  	[sflag:s29] =	ssyncset.done $0x0  }
0xb: {  	s30 =	simm.s32 $0x2;
	[sflag:s29] =	ssyncadd.s32 $0xFFFFEC00  }
0xc: {  	_ =	swait.ge [sflag:s30], $0x1400  }
0xd: {  	[sflag:s30] =	ssyncset.done $0x0  }
0xe: {  	s31 =	simm.s32 $0x0;
	[sflag:s30] =	ssyncadd.s32 $0xFFFFEC00  }
0xf: {  	v0 =	vld [tilespmem:s31+$0x0]  }
0x10: {  	v2 =	vld [tilespmem:s31+$0x1400]  }
0x11: {  	v6 =	vld [tilespmem:s31+$0x10]  }
0x12: {  	v8 =	vld [tilespmem:s31+$0x1410]  }
0x13: {  	v1 =	vld [tilespmem:s31+$0x20]  }
0x14: {  	v4 =	vld [tilespmem:s31+$0x1420]  }
0x15: {  	v3 =	vld [tilespmem:s31+$0x1430];
	v7 =	vsub.f32 v0, v2  }
0x16: {  	s3 =	simm.s32 $0x40;
	v0 =	vld [tilespmem:s31+$0x30]  }
0x17: {  	v5 =	vimm.f32 $0.0e+00;
	s2 =	sadd.s32 $0x200, s4;
	s4 =	simm.s32 $0x200;
	v2 =	vld [tilespmem:s3+$0x0];
	v6 =	vsub.f32 v6, v8;
	v7 =	vand.u32 $0x7FFFFFFF, v7  }
.LBB2_1:
0x18: {  	p0 =	sne.s32 s4, $0x4F00;
	v8 =	vld [tilespmem:s3+$0x1400];
	v5 =	vadd.f32 v7, v5  }
0x19: {  	v9 =	vld [tilespmem:s3+$0x10];
	v6 =	vand.u32 $0x7FFFFFFF, v6;
	v4 =	vsub.f32 v1, v4  }
0x1a: {  	v10 =	vld [tilespmem:s3+$0x1410];
	v5 =	vadd.f32 v6, v5  }
.Ltmp0:
0x1b: {  	v1 =	vld [tilespmem:s3+$0x20];
	v6 =	vand.u32 $0x7FFFFFFF, v4;
	v3 =	vsub.f32 v0, v3;
	(pc) =	sbr.rel @p0 .LBB2_1-.Ltmp0, $4  }
0x1c: {  	v4 =	vld [tilespmem:s3+$0x1420];
	v5 =	vadd.f32 v6, v5  }
0x1d: {  	v6 =	vsub.f32 v2, v8;
	v0 =	vld [tilespmem:s3+$0x30];
	v2 =	vand.u32 $0x7FFFFFFF, v3  }
0x1e: {  	v3 =	vld [tilespmem:s3+$0x1430];
	s3 =	sshra.s32 s4, $0x2;
	v5 =	vadd.f32 v2, v5  }
0x1f: {  	s4 =	sadd.s32 $0x100, s4;
	v2 =	vld [tilespmem:s3+$0x0];
	v7 =	vand.u32 $0x7FFFFFFF, v6;
	v6 =	vsub.f32 v9, v10  }
0x20: {  	v8 =	vld [tilespmem:s3+$0x1400];
	v5 =	vadd.f32 v7, v5  }
0x21: {  	v51 =	vld [tilespmem:s3+$0x10];
	v6 =	vand.u32 $0x7FFFFFFF, v6;
	v1 =	vsub.f32 v1, v4  }
0x22: {  	v52 =	vld [tilespmem:s3+$0x1410];
	v5 =	vadd.f32 v6, v5  }
0x23: {  	v53 =	vld [tilespmem:s3+$0x20];
	v1 =	vand.u32 $0x7FFFFFFF, v1;
	v0 =	vsub.f32 v0, v3  }
0x24: {  	v54 =	vld [tilespmem:s3+$0x1420];
	v1 =	vadd.f32 v1, v5  }
0x25: {  	v55 =	vld [tilespmem:s3+$0x30];
	v2 =	vsub.f32 v2, v8;
	v0 =	vand.u32 $0x7FFFFFFF, v0  }
0x26: {  	v56 =	vld [tilespmem:s3+$0x1430];
	v0 =	vadd.f32 v0, v1  }
0x27: {  	v58 =	vsub.f32 v51, v52;
	v57 =	vand.u32 $0x7FFFFFFF, v2  }
0x28: {  	v0 =	vadd.f32 v57, v0  }
0x29: {  	v60 =	vsub.f32 v53, v54;
	v59 =	vand.u32 $0x7FFFFFFF, v58  }
0x2a: {  	v0 =	vadd.f32 v59, v0  }
0x2b: {  	v62 =	vsub.f32 v55, v56;
	v61 =	vand.u32 $0x7FFFFFFF, v60  }
0x2c: {  	v0 =	vadd.f32 v61, v0  }
0x2d: {  	v63 =	vand.u32 $0x7FFFFFFF, v62  }
0x2e: {  	v0 =	vadd.f32 v63, v0  }
0x2f: {  	s29 =	sshll.u32 s1, $0x4;
	s30 =	simm.s32 $0x0  }
0x30: {  	s4 =	simm.s32 $0x2800;
	s31 =	simm.s32 $0x3;
	s2 =	sadd.s32 s2, s29;
	[tilespmem:$0x2800] =	vst v0  }
0x31: {  	[hbm4b:s2+s30] =	stream.linear.scatter [tilespmem:s4], [sflag:$0x3], $0x80, $0x38;
	[tilespmem:$0x2880] =	vst v63  }
0x32: {  	_ =	swait.ge [sflag:s31], $0x80  }
0x33: {  	[sflag:s31] =	ssyncset.done $0x0  }
0x34: {  	[sflag:s31] =	ssyncadd.s32 $0xFFFFFF80  }
0x35: {  	_ =	sfence.sel $0x180000  }
0x36: {  	[bflag:$0x0] =	sbarrier.arrive $0xFFFF  }
0x37: {  	p0 =	sne.s32 s1, $0x0;
	_ =	strace $0x90000047  }
0x38: {  	s0 =	sadd.s32 @!p0 $0x100000, s0;
	[bflag:$0x2] =	sbarrier.arrive $0xFFFF  }
0x39: {  	[sflag:s0] =	ssyncadd.tile.s32 @!p0 $0x1;
	_ =	shalt  }
.Lfunc_end2:
_tile_overlayer_lowered:
.L_overlay_start_2:
0x3a: {  	(tag) =	ssettag $0x2  }
0x3b: {  	s0 =	rddreg [dreg:$0x0];
	s2 =	stileid.u32  }
0x3c: {  	s1 =	rddreg [dreg:$0x1];
	p0 =	sne.s32 s2, $0x0  }
0x3d: {  	s3 =	rddreg [dreg:$0x2];
	[bflag:$0x3] =	sbarrier.arrive $0xFFFF;
	s2 =	simm.s32 @!p0 $0x1C03  }
0x3e: {  	[timem:s3], [sflag:s2] =	dma.local @!p0 [hbm:s0], s1  }
0x3f: {  	s0 =	simm.s32 @!p0 $0x3  }
0x40: {  	_ =	swait.ge @!p0 [sflag:s0], s1  }
0x41: {  	s1 =	ssub.s32 @!p0 $0x0, s1;
	[sflag:s0] =	ssyncset.done @!p0 $0x0  }
0x42: {  	[sflag:s0] =	ssyncadd.s32 @!p0 s1  }
0x43: {  	[bflag:$0x3] =	sbarrier.arrive $0xFFFF  }
0x44: {  	_ =	shalt  }

</sc_bundles>
